<compile_context>
chip_gen: v7x
topology: tpu7x:2x2x1
jax: 0.10.2.dev20260603
libtpu: 0.0.44.dev20260713+nightly
codegen_flags: <defaults>
</compile_context>

<pallas_src>
import jax
import jax.numpy as jnp
from jax import lax
from jax.experimental import pallas as pl
from jax.experimental.pallas import tpu as pltpu
from jax.experimental.pallas import tpu_sc as plsc

TOPK = 3
N = 1000
B = 16384
RB = 1024

NC, NS, L = 2, 16, 16
NW = NC * NS
IDX_TOTAL = TOPK * B
IDX_PER_W = IDX_TOTAL // NW
VECS_PER_W = IDX_PER_W // L


def _topk_body(x_ref, ov_ref, oi_ref):
    xb = x_ref[...]
    R, Ncols = xb.shape
    fiota = lax.broadcasted_iota(jnp.int32, (R, Ncols), 1).astype(jnp.float32)
    neg = jnp.float32(-jnp.inf)
    big = jnp.float32(2048.0)
    vals = []
    idxs = []
    cur = xb
    for k in range(TOPK):
        v = jnp.max(cur, axis=1)
        i = jnp.min(jnp.where(cur == v[:, None], fiota, big), axis=1)
        vals.append(v)
        idxs.append(i)
        if k < TOPK - 1:
            cur = jnp.where(fiota == i[:, None], neg, cur)
    ov_ref[...] = jnp.stack(vals, axis=0)
    oi_ref[...] = jnp.stack(idxs, axis=0).astype(jnp.int32)


def _gather_body(idx_hbm, lbl_hbm, out_hbm, idxv, lblv, outv, sem):
    wid = lax.axis_index("s") * NC + lax.axis_index("c")
    pltpu.sync_copy(lbl_hbm, lblv)
    base = pl.multiple_of(wid * IDX_PER_W, 8)
    pltpu.sync_copy(idx_hbm.at[pl.ds(base, IDX_PER_W)], idxv)

    def vec_body(t, _):
        ivec = idxv[pl.ds(t * L, L)]
        outv[pl.ds(t * L, L)] = plsc.load_gather(lblv, [ivec])
        return 0

    lax.fori_loop(0, VECS_PER_W, vec_body, 0, unroll=8)
    pltpu.sync_copy(outv, out_hbm.at[pl.ds(base, IDX_PER_W)])


@jax.jit
def kernel(x, label_ids):
    vals_t, idx_t = pl.pallas_call(
        _topk_body,
        grid=(B // RB,),
        in_specs=[pl.BlockSpec((RB, N), lambda i: (i, 0))],
        out_specs=[
            pl.BlockSpec((TOPK, RB), lambda i: (0, i)),
            pl.BlockSpec((TOPK, RB), lambda i: (0, i)),
        ],
        out_shape=[
            jax.ShapeDtypeStruct((TOPK, B), jnp.float32),
            jax.ShapeDtypeStruct((TOPK, B), jnp.int32),
        ],
    )(x)

    mesh = plsc.VectorSubcoreMesh(
        core_axis_name="c", subcore_axis_name="s", num_cores=NC, num_subcores=NS
    )
    gather = pl.kernel(
        _gather_body,
        out_type=[jax.ShapeDtypeStruct((IDX_TOTAL,), jnp.int32)],
        mesh=mesh,
        compiler_params=pltpu.CompilerParams(needs_layout_passes=False),
        scratch_types=[
            pltpu.VMEM((IDX_PER_W,), jnp.int32),
            pltpu.VMEM((N,), jnp.int32),
            pltpu.VMEM((IDX_PER_W,), jnp.int32),
            pltpu.SemaphoreType.DMA,
        ],
    )
    (labels_flat,) = gather(idx_t.reshape(-1), label_ids)
    return vals_t.T, labels_flat.reshape(TOPK, B).T

# --- scband reference (transcript-rebuilt; emitter-appended) ---
"""Pipeline reference for scband-predictions-postprocessing-61220463837949 (READ-ONLY COPY).

The authoritative reference and input builder live on the scoring server;
editing this copy changes nothing except your own understanding.
"""

import jax, jax.numpy as jnp
import numpy as np

TOP_K = 3
N_LABELS = 1000
BATCH = 16384


def setup_inputs(seed: int = 0) -> dict:
    key = jax.random.key(seed)
    x = jax.random.normal(key, (BATCH, N_LABELS), dtype=jnp.float32)
    # Stand-in for the string label table: integer label ids (strings are not
    # representable in jnp arrays). The gather semantics are identical.
    label_ids = jnp.arange(N_LABELS, dtype=jnp.int32)
    return {"x": x, "label_ids": label_ids}


def reference(x, label_ids):
    batch_size = x.shape[0]
    # tf.tile(tf_labels, [batch_size, 1])
    tiled_labels = jnp.tile(label_ids[None, :], (batch_size, 1))
    # tf.nn.top_k(x, k=top_k, sorted=True).indices
    _, top_idx = jax.lax.top_k(x, TOP_K)
    # tf.gather(x, top_k, batch_dims=1)
    top_k_confi = jnp.take_along_axis(x, top_idx, axis=1)
    # tf.gather(tf_labels, top_k, batch_dims=1)
    top_k_labels = jnp.take_along_axis(tiled_labels, top_idx, axis=1)
    return top_k_confi, top_k_labels

if __name__ == "__main__":
    import jax
    _d = setup_inputs()
    print(jax.jit(kernel)(*tuple(_d.values())))

</pallas_src>

<mosaic_0001>
#map = affine_map<(d0, d1) -> (0)>
module attributes {stable_mosaic.version = 14 : i64} {
  func.func @_gather_body(%arg0: i32, %arg1: i32, %arg2: memref<49152xi32, #tpu.memory_space<hbm>>, %arg3: memref<1000xi32, #tpu.memory_space<hbm>>, %arg4: memref<49152xi32, #tpu.memory_space<hbm>>, %arg5: memref<1536xi32, #tpu.memory_space<vmem>>, %arg6: memref<1000xi32, #tpu.memory_space<vmem>>, %arg7: memref<1536xi32, #tpu.memory_space<vmem>>, %arg8: memref<!tpu.dma_semaphore, #tpu.memory_space<semaphore_mem>>) attributes {dimension_semantics = [#tpu.dimension_semantics<core_parallel>, #tpu.dimension_semantics<subcore_parallel>], iteration_bounds = array<i64: 2, 16>, scalar_prefetch = 0 : i64, scratch_operands = 4 : i64, tpu.core_type = #tpu.core_type<sc_vector_subcore>, window_params = [{transform_indices = #map}, {transform_indices = #map}, {transform_indices = #map}]} {
    %mul3A = arith.constant 2 : i32
    %mul3A_0 = arith.muli %arg1, %mul3A : i32
    %add3A = arith.addi %mul3A_0, %arg0 : i32
    "tpu.region"() ({
      %run_scoped3A = tpu.sem_alloc : memref<!tpu.dma_semaphore, #tpu.memory_space<semaphore_mem>>
      tpu.enqueue_dma source(%arg3 : memref<1000xi32, #tpu.memory_space<hbm>>) target(%arg6 : memref<1000xi32, #tpu.memory_space<vmem>>) target_semaphore(%run_scoped3A : memref<!tpu.dma_semaphore, #tpu.memory_space<semaphore_mem>>)
      tpu.wait_dma2 semaphore(%run_scoped3A : memref<!tpu.dma_semaphore, #tpu.memory_space<semaphore_mem>>) src(%arg3 : memref<1000xi32, #tpu.memory_space<hbm>>) dst(%arg6 : memref<1000xi32, #tpu.memory_space<vmem>>)
      tpu.yield
    }) : () -> ()
    %mul3A_1 = arith.constant 1536 : i32
    %mul3A_2 = arith.muli %add3A, %mul3A_1 : i32
    %multiple_of3A = tpu.assume_multiple %mul3A_2, 8 : i32
    "tpu.region"() ({
      %run_scoped3A = tpu.sem_alloc : memref<!tpu.dma_semaphore, #tpu.memory_space<semaphore_mem>>
      %dma_start3A = tpu.memref_slice %arg2[%multiple_of3A] : memref<49152xi32, #tpu.memory_space<hbm>> -> memref<1536xi32, #tpu.memory_space<hbm>>
      %dma_start3A_9 = tpu.memref_slice %arg2[%multiple_of3A] : memref<49152xi32, #tpu.memory_space<hbm>> -> memref<1536xi32, #tpu.memory_space<hbm>>
      tpu.enqueue_dma source(%dma_start3A_9 : memref<1536xi32, #tpu.memory_space<hbm>>) target(%arg5 : memref<1536xi32, #tpu.memory_space<vmem>>) target_semaphore(%run_scoped3A : memref<!tpu.dma_semaphore, #tpu.memory_space<semaphore_mem>>)
      %dma_wait3A = tpu.memref_slice %arg2[%multiple_of3A] : memref<49152xi32, #tpu.memory_space<hbm>> -> memref<1536xi32, #tpu.memory_space<hbm>>
      %dma_wait3A_10 = tpu.memref_slice %arg2[%multiple_of3A] : memref<49152xi32, #tpu.memory_space<hbm>> -> memref<1536xi32, #tpu.memory_space<hbm>>
      tpu.wait_dma2 semaphore(%run_scoped3A : memref<!tpu.dma_semaphore, #tpu.memory_space<semaphore_mem>>) src(%dma_wait3A_10 : memref<1536xi32, #tpu.memory_space<hbm>>) dst(%arg5 : memref<1536xi32, #tpu.memory_space<vmem>>)
      tpu.yield
    }) : () -> ()
    %scan3A = arith.constant 0 : i32
    %scan3A_3 = arith.constant 0 : i32
    %scan3A_4 = arith.constant 96 : i32
    %scan3A_5 = arith.addi %scan3A_3, %scan3A_4 : i32
    %scan3A_6 = arith.constant 8 : i32
    %scan3A_7 = scf.for %scan3A_9 = %scan3A_3 to %scan3A_5 step %scan3A_6 iter_args(%scan3A_10 = %scan3A) -> (i32)  : i32 {
      %mul3A_11 = arith.constant 16 : i32
      %mul3A_12 = arith.muli %scan3A_9, %mul3A_11 : i32
      %get3A = arith.index_cast %mul3A_12 : i32 to index
      %get3A_13 = tpu.vector_load %arg5[%get3A] {strides = array<i32>} : memref<1536xi32, #tpu.memory_space<vmem>>, vector<16xi32>,
      %gather3A = tpu.vector_load_idx %arg6[%get3A_13] : memref<1000xi32, #tpu.memory_space<vmem>>[vector<16xi32>], vector<16xi32>,
      %mul3A_14 = arith.constant 16 : i32
      %mul3A_15 = arith.muli %scan3A_9, %mul3A_14 : i32
      %swap3A = arith.index_cast %mul3A_15 : i32 to index
      %swap3A_16 = tpu.vector_load %arg7[%swap3A] {strides = array<i32>} : memref<1536xi32, #tpu.memory_space<vmem>>, vector<16xi32>,
      tpu.vector_store %arg7[%swap3A], %gather3A {strides = array<i32>} : memref<1536xi32, #tpu.memory_space<vmem>>, vector<16xi32>,
      %scan3A_17 = arith.constant 0 : i32
      %scan3A_18 = arith.constant 1 : i32
      %scan3A_19 = arith.addi %scan3A_9, %scan3A_18 : i32
      %mul3A_20 = arith.constant 16 : i32
      %mul3A_21 = arith.muli %scan3A_19, %mul3A_20 : i32
      %get3A_22 = arith.index_cast %mul3A_21 : i32 to index
      %get3A_23 = tpu.vector_load %arg5[%get3A_22] {strides = array<i32>} : memref<1536xi32, #tpu.memory_space<vmem>>, vector<16xi32>,
      %gather3A_24 = tpu.vector_load_idx %arg6[%get3A_23] : memref<1000xi32, #tpu.memory_space<vmem>>[vector<16xi32>], vector<16xi32>,
      %mul3A_25 = arith.constant 16 : i32
      %mul3A_26 = arith.muli %scan3A_19, %mul3A_25 : i32
      %swap3A_27 = arith.index_cast %mul3A_26 : i32 to index
      %swap3A_28 = tpu.vector_load %arg7[%swap3A_27] {strides = array<i32>} : memref<1536xi32, #tpu.memory_space<vmem>>, vector<16xi32>,
      tpu.vector_store %arg7[%swap3A_27], %gather3A_24 {strides = array<i32>} : memref<1536xi32, #tpu.memory_space<vmem>>, vector<16xi32>,
      %scan3A_29 = arith.constant 0 : i32
      %scan3A_30 = arith.constant 2 : i32
      %scan3A_31 = arith.addi %scan3A_9, %scan3A_30 : i32
      %mul3A_32 = arith.constant 16 : i32
      %mul3A_33 = arith.muli %scan3A_31, %mul3A_32 : i32
      %get3A_34 = arith.index_cast %mul3A_33 : i32 to index
      %get3A_35 = tpu.vector_load %arg5[%get3A_34] {strides = array<i32>} : memref<1536xi32, #tpu.memory_space<vmem>>, vector<16xi32>,
      %gather3A_36 = tpu.vector_load_idx %arg6[%get3A_35] : memref<1000xi32, #tpu.memory_space<vmem>>[vector<16xi32>], vector<16xi32>,
      %mul3A_37 = arith.constant 16 : i32
      %mul3A_38 = arith.muli %scan3A_31, %mul3A_37 : i32
      %swap3A_39 = arith.index_cast %mul3A_38 : i32 to index
      %swap3A_40 = tpu.vector_load %arg7[%swap3A_39] {strides = array<i32>} : memref<1536xi32, #tpu.memory_space<vmem>>, vector<16xi32>,
      tpu.vector_store %arg7[%swap3A_39], %gather3A_36 {strides = array<i32>} : memref<1536xi32, #tpu.memory_space<vmem>>, vector<16xi32>,
      %scan3A_41 = arith.constant 0 : i32
      %scan3A_42 = arith.constant 3 : i32
      %scan3A_43 = arith.addi %scan3A_9, %scan3A_42 : i32
      %mul3A_44 = arith.constant 16 : i32
      %mul3A_45 = arith.muli %scan3A_43, %mul3A_44 : i32
      %get3A_46 = arith.index_cast %mul3A_45 : i32 to index
      %get3A_47 = tpu.vector_load %arg5[%get3A_46] {strides = array<i32>} : memref<1536xi32, #tpu.memory_space<vmem>>, vector<16xi32>,
      %gather3A_48 = tpu.vector_load_idx %arg6[%get3A_47] : memref<1000xi32, #tpu.memory_space<vmem>>[vector<16xi32>], vector<16xi32>,
      %mul3A_49 = arith.constant 16 : i32
      %mul3A_50 = arith.muli %scan3A_43, %mul3A_49 : i32
      %swap3A_51 = arith.index_cast %mul3A_50 : i32 to index
      %swap3A_52 = tpu.vector_load %arg7[%swap3A_51] {strides = array<i32>} : memref<1536xi32, #tpu.memory_space<vmem>>, vector<16xi32>,
      tpu.vector_store %arg7[%swap3A_51], %gather3A_48 {strides = array<i32>} : memref<1536xi32, #tpu.memory_space<vmem>>, vector<16xi32>,
      %scan3A_53 = arith.constant 0 : i32
      %scan3A_54 = arith.constant 4 : i32
      %scan3A_55 = arith.addi %scan3A_9, %scan3A_54 : i32
      %mul3A_56 = arith.constant 16 : i32
      %mul3A_57 = arith.muli %scan3A_55, %mul3A_56 : i32
      %get3A_58 = arith.index_cast %mul3A_57 : i32 to index
      %get3A_59 = tpu.vector_load %arg5[%get3A_58] {strides = array<i32>} : memref<1536xi32, #tpu.memory_space<vmem>>, vector<16xi32>,
      %gather3A_60 = tpu.vector_load_idx %arg6[%get3A_59] : memref<1000xi32, #tpu.memory_space<vmem>>[vector<16xi32>], vector<16xi32>,
      %mul3A_61 = arith.constant 16 : i32
      %mul3A_62 = arith.muli %scan3A_55, %mul3A_61 : i32
      %swap3A_63 = arith.index_cast %mul3A_62 : i32 to index
      %swap3A_64 = tpu.vector_load %arg7[%swap3A_63] {strides = array<i32>} : memref<1536xi32, #tpu.memory_space<vmem>>, vector<16xi32>,
      tpu.vector_store %arg7[%swap3A_63], %gather3A_60 {strides = array<i32>} : memref<1536xi32, #tpu.memory_space<vmem>>, vector<16xi32>,
      %scan3A_65 = arith.constant 0 : i32
      %scan3A_66 = arith.constant 5 : i32
      %scan3A_67 = arith.addi %scan3A_9, %scan3A_66 : i32
      %mul3A_68 = arith.constant 16 : i32
      %mul3A_69 = arith.muli %scan3A_67, %mul3A_68 : i32
      %get3A_70 = arith.index_cast %mul3A_69 : i32 to index
      %get3A_71 = tpu.vector_load %arg5[%get3A_70] {strides = array<i32>} : memref<1536xi32, #tpu.memory_space<vmem>>, vector<16xi32>,
      %gather3A_72 = tpu.vector_load_idx %arg6[%get3A_71] : memref<1000xi32, #tpu.memory_space<vmem>>[vector<16xi32>], vector<16xi32>,
      %mul3A_73 = arith.constant 16 : i32
      %mul3A_74 = arith.muli %scan3A_67, %mul3A_73 : i32
      %swap3A_75 = arith.index_cast %mul3A_74 : i32 to index
      %swap3A_76 = tpu.vector_load %arg7[%swap3A_75] {strides = array<i32>} : memref<1536xi32, #tpu.memory_space<vmem>>, vector<16xi32>,
      tpu.vector_store %arg7[%swap3A_75], %gather3A_72 {strides = array<i32>} : memref<1536xi32, #tpu.memory_space<vmem>>, vector<16xi32>,
      %scan3A_77 = arith.constant 0 : i32
      %scan3A_78 = arith.constant 6 : i32
      %scan3A_79 = arith.addi %scan3A_9, %scan3A_78 : i32
      %mul3A_80 = arith.constant 16 : i32
      %mul3A_81 = arith.muli %scan3A_79, %mul3A_80 : i32
      %get3A_82 = arith.index_cast %mul3A_81 : i32 to index
      %get3A_83 = tpu.vector_load %arg5[%get3A_82] {strides = array<i32>} : memref<1536xi32, #tpu.memory_space<vmem>>, vector<16xi32>,
      %gather3A_84 = tpu.vector_load_idx %arg6[%get3A_83] : memref<1000xi32, #tpu.memory_space<vmem>>[vector<16xi32>], vector<16xi32>,
      %mul3A_85 = arith.constant 16 : i32
      %mul3A_86 = arith.muli %scan3A_79, %mul3A_85 : i32
      %swap3A_87 = arith.index_cast %mul3A_86 : i32 to index
      %swap3A_88 = tpu.vector_load %arg7[%swap3A_87] {strides = array<i32>} : memref<1536xi32, #tpu.memory_space<vmem>>, vector<16xi32>,
      tpu.vector_store %arg7[%swap3A_87], %gather3A_84 {strides = array<i32>} : memref<1536xi32, #tpu.memory_space<vmem>>, vector<16xi32>,
      %scan3A_89 = arith.constant 0 : i32
      %scan3A_90 = arith.constant 7 : i32
      %scan3A_91 = arith.addi %scan3A_9, %scan3A_90 : i32
      %mul3A_92 = arith.constant 16 : i32
      %mul3A_93 = arith.muli %scan3A_91, %mul3A_92 : i32
      %get3A_94 = arith.index_cast %mul3A_93 : i32 to index
      %get3A_95 = tpu.vector_load %arg5[%get3A_94] {strides = array<i32>} : memref<1536xi32, #tpu.memory_space<vmem>>, vector<16xi32>,
      %gather3A_96 = tpu.vector_load_idx %arg6[%get3A_95] : memref<1000xi32, #tpu.memory_space<vmem>>[vector<16xi32>], vector<16xi32>,
      %mul3A_97 = arith.constant 16 : i32
      %mul3A_98 = arith.muli %scan3A_91, %mul3A_97 : i32
      %swap3A_99 = arith.index_cast %mul3A_98 : i32 to index
      %swap3A_100 = tpu.vector_load %arg7[%swap3A_99] {strides = array<i32>} : memref<1536xi32, #tpu.memory_space<vmem>>, vector<16xi32>,
      tpu.vector_store %arg7[%swap3A_99], %gather3A_96 {strides = array<i32>} : memref<1536xi32, #tpu.memory_space<vmem>>, vector<16xi32>,
      %scan3A_101 = arith.constant 0 : i32
      scf.yield %scan3A_101 : i32
    }
    %scan3A_8 = arith.constant 96 : i32
    "tpu.region"() ({
      %run_scoped3A = tpu.sem_alloc : memref<!tpu.dma_semaphore, #tpu.memory_space<semaphore_mem>>
      %dma_start3A = tpu.memref_slice %arg4[%multiple_of3A] : memref<49152xi32, #tpu.memory_space<hbm>> -> memref<1536xi32, #tpu.memory_space<hbm>>
      %dma_start3A_9 = tpu.memref_slice %arg4[%multiple_of3A] : memref<49152xi32, #tpu.memory_space<hbm>> -> memref<1536xi32, #tpu.memory_space<hbm>>
      tpu.enqueue_dma source(%arg7 : memref<1536xi32, #tpu.memory_space<vmem>>) target(%dma_start3A_9 : memref<1536xi32, #tpu.memory_space<hbm>>) target_semaphore(%run_scoped3A : memref<!tpu.dma_semaphore, #tpu.memory_space<semaphore_mem>>)
      %dma_wait3A = tpu.memref_slice %arg4[%multiple_of3A] : memref<49152xi32, #tpu.memory_space<hbm>> -> memref<1536xi32, #tpu.memory_space<hbm>>
      %dma_wait3A_10 = tpu.memref_slice %arg4[%multiple_of3A] : memref<49152xi32, #tpu.memory_space<hbm>> -> memref<1536xi32, #tpu.memory_space<hbm>>
      tpu.wait_dma2 semaphore(%run_scoped3A : memref<!tpu.dma_semaphore, #tpu.memory_space<semaphore_mem>>) src(%arg7 : memref<1536xi32, #tpu.memory_space<vmem>>) dst(%dma_wait3A_10 : memref<1536xi32, #tpu.memory_space<hbm>>)
      tpu.yield
    }) : () -> ()
    return
  }
}

module attributes {stable_mosaic.version = 14 : i64} {
  func.func @_topk_body(%arg0: i32, %arg1: memref<1024x1000xf32, #tpu.memory_space<vmem>>, %arg2: memref<3x1024xf32, #tpu.memory_space<vmem>>, %arg3: memref<3x1024xi32, #tpu.memory_space<vmem>>) attributes {dimension_semantics = [#tpu.dimension_semantics<arbitrary>], iteration_bounds = array<i64: 16>, scalar_prefetch = 0 : i64, scratch_operands = 0 : i64, tpu.core_type = #tpu.core_type<tc>, window_params = [{transform_indices = @transform_0, window_bounds = array<i64: 1024, 1000>}, {transform_indices = @transform_1, window_bounds = array<i64: 3, 1024>}, {transform_indices = @transform_2, window_bounds = array<i64: 3, 1024>}]} {
    %get3A = arith.constant 0 : index
    %get3A_0 = arith.constant 0 : index
    %get3A_1 = vector.load %arg1[%get3A, %get3A_0] : memref<1024x1000xf32, #tpu.memory_space<vmem>>, vector<1024x1000xf32>
    %iota3A = tpu.iota {dimensions = array<i32: 1>} : vector<1024x1000xi32>
    %convert_element_type3A = arith.sitofp %iota3A : vector<1024x1000xi32> to vector<1024x1000xf32>
    %reduce_max3A = arith.constant dense<0xFF800000> : vector<1024xf32>
    %reduce_max3A_2 = vector.multi_reduction <maximumf>, %get3A_1, %reduce_max3A [1] : vector<1024x1000xf32> to vector<1024xf32>
    %broadcast_in_dim3A = vector.shape_cast %reduce_max3A_2 : vector<1024xf32> to vector<1024x1xf32>
    %eq3A = vector.broadcast %broadcast_in_dim3A : vector<1024x1xf32> to vector<1024x1000xf32>
    %eq3A_3 = arith.cmpf oeq, %get3A_1, %eq3A : vector<1024x1000xf32>
    %jit3A = arith.constant 2.048000e+03 : f32
    %broadcast_in_dim3A_4 = vector.broadcast %jit3A : f32 to vector<1024x1000xf32>
    %select_n3A = arith.select %eq3A_3, %convert_element_type3A, %broadcast_in_dim3A_4 : vector<1024x1000xi1>, vector<1024x1000xf32>
    %reduce_min3A = arith.constant dense<0x7F800000> : vector<1024xf32>
    %reduce_min3A_5 = vector.multi_reduction <minimumf>, %select_n3A, %reduce_min3A [1] : vector<1024x1000xf32> to vector<1024xf32>
    %broadcast_in_dim3A_6 = vector.shape_cast %reduce_min3A_5 : vector<1024xf32> to vector<1024x1xf32>
    %eq3A_7 = vector.broadcast %broadcast_in_dim3A_6 : vector<1024x1xf32> to vector<1024x1000xf32>
    %eq3A_8 = arith.cmpf oeq, %convert_element_type3A, %eq3A_7 : vector<1024x1000xf32>
    %jit3A_9 = arith.constant 0xFF800000 : f32
    %broadcast_in_dim3A_10 = vector.broadcast %jit3A_9 : f32 to vector<1024x1000xf32>
    %select_n3A_11 = arith.select %eq3A_8, %broadcast_in_dim3A_10, %get3A_1 : vector<1024x1000xi1>, vector<1024x1000xf32>
    %reduce_max3A_12 = arith.constant dense<0xFF800000> : vector<1024xf32>
    %reduce_max3A_13 = vector.multi_reduction <maximumf>, %select_n3A_11, %reduce_max3A_12 [1] : vector<1024x1000xf32> to vector<1024xf32>
    %broadcast_in_dim3A_14 = vector.shape_cast %reduce_max3A_13 : vector<1024xf32> to vector<1024x1xf32>
    %eq3A_15 = vector.broadcast %broadcast_in_dim3A_14 : vector<1024x1xf32> to vector<1024x1000xf32>
    %eq3A_16 = arith.cmpf oeq, %select_n3A_11, %eq3A_15 : vector<1024x1000xf32>
    %jit3A_17 = arith.constant 2.048000e+03 : f32
    %broadcast_in_dim3A_18 = vector.broadcast %jit3A_17 : f32 to vector<1024x1000xf32>
    %select_n3A_19 = arith.select %eq3A_16, %convert_element_type3A, %broadcast_in_dim3A_18 : vector<1024x1000xi1>, vector<1024x1000xf32>
    %reduce_min3A_20 = arith.constant dense<0x7F800000> : vector<1024xf32>
    %reduce_min3A_21 = vector.multi_reduction <minimumf>, %select_n3A_19, %reduce_min3A_20 [1] : vector<1024x1000xf32> to vector<1024xf32>
    %broadcast_in_dim3A_22 = vector.shape_cast %reduce_min3A_21 : vector<1024xf32> to vector<1024x1xf32>
    %eq3A_23 = vector.broadcast %broadcast_in_dim3A_22 : vector<1024x1xf32> to vector<1024x1000xf32>
    %eq3A_24 = arith.cmpf oeq, %convert_element_type3A, %eq3A_23 : vector<1024x1000xf32>
    %jit3A_25 = arith.constant 0xFF800000 : f32
    %broadcast_in_dim3A_26 = vector.broadcast %jit3A_25 : f32 to vector<1024x1000xf32>
    %select_n3A_27 = arith.select %eq3A_24, %broadcast_in_dim3A_26, %select_n3A_11 : vector<1024x1000xi1>, vector<1024x1000xf32>
    %reduce_max3A_28 = arith.constant dense<0xFF800000> : vector<1024xf32>
    %reduce_max3A_29 = vector.multi_reduction <maximumf>, %select_n3A_27, %reduce_max3A_28 [1] : vector<1024x1000xf32> to vector<1024xf32>
    %broadcast_in_dim3A_30 = vector.shape_cast %reduce_max3A_29 : vector<1024xf32> to vector<1024x1xf32>
    %eq3A_31 = vector.broadcast %broadcast_in_dim3A_30 : vector<1024x1xf32> to vector<1024x1000xf32>
    %eq3A_32 = arith.cmpf oeq, %select_n3A_27, %eq3A_31 : vector<1024x1000xf32>
    %jit3A_33 = arith.constant 2.048000e+03 : f32
    %broadcast_in_dim3A_34 = vector.broadcast %jit3A_33 : f32 to vector<1024x1000xf32>
    %select_n3A_35 = arith.select %eq3A_32, %convert_element_type3A, %broadcast_in_dim3A_34 : vector<1024x1000xi1>, vector<1024x1000xf32>
    %reduce_min3A_36 = arith.constant dense<0x7F800000> : vector<1024xf32>
    %reduce_min3A_37 = vector.multi_reduction <minimumf>, %select_n3A_35, %reduce_min3A_36 [1] : vector<1024x1000xf32> to vector<1024xf32>
    %stack3A = vector.shape_cast %reduce_max3A_2 : vector<1024xf32> to vector<1x1024xf32>
    %stack3A_38 = vector.shape_cast %reduce_max3A_13 : vector<1024xf32> to vector<1x1024xf32>
    %stack3A_39 = vector.shape_cast %reduce_max3A_29 : vector<1024xf32> to vector<1x1024xf32>
    %stack3A_40 = tpu.concatenate %stack3A, %stack3A_38, %stack3A_39 in 0 : vector<1x1024xf32>, vector<1x1024xf32>, vector<1x1024xf32> -> vector<3x1024xf32>
    %swap3A = arith.constant 0 : index
    %swap3A_41 = arith.constant 0 : index
    %swap3A_42 = vector.load %arg2[%swap3A, %swap3A_41] : memref<3x1024xf32, #tpu.memory_space<vmem>>, vector<3x1024xf32>
    tpu.vector_store %arg2[%swap3A, %swap3A_41], %stack3A_40 {strides = array<i32>} : memref<3x1024xf32, #tpu.memory_space<vmem>>, vector<3x1024xf32>,
    %stack3A_43 = vector.shape_cast %reduce_min3A_5 : vector<1024xf32> to vector<1x1024xf32>
    %stack3A_44 = vector.shape_cast %reduce_min3A_21 : vector<1024xf32> to vector<1x1024xf32>
    %stack3A_45 = vector.shape_cast %reduce_min3A_37 : vector<1024xf32> to vector<1x1024xf32>
    %stack3A_46 = tpu.concatenate %stack3A_43, %stack3A_44, %stack3A_45 in 0 : vector<1x1024xf32>, vector<1x1024xf32>, vector<1x1024xf32> -> vector<3x1024xf32>
    %convert_element_type3A_47 = arith.fptosi %stack3A_46 : vector<3x1024xf32> to vector<3x1024xi32>
    %swap3A_48 = arith.constant 0 : index
    %swap3A_49 = arith.constant 0 : index
    %swap3A_50 = vector.load %arg3[%swap3A_48, %swap3A_49] : memref<3x1024xi32, #tpu.memory_space<vmem>>, vector<3x1024xi32>
    tpu.vector_store %arg3[%swap3A_48, %swap3A_49], %convert_element_type3A_47 {strides = array<i32>} : memref<3x1024xi32, #tpu.memory_space<vmem>>, vector<3x1024xi32>,
    return
  }
  func.func @transform_0(%arg0: i32) -> (i32, i32) {
    %c0_i32 = arith.constant 0 : i32
    %c0_i32_0 = arith.constant 0 : i32
    return %arg0, %c0_i32 : i32, i32
  }
  func.func @transform_1(%arg0: i32) -> (i32, i32) {
    %c0_i32 = arith.constant 0 : i32
    %c0_i32_0 = arith.constant 0 : i32
    return %c0_i32, %arg0 : i32, i32
  }
  func.func @transform_2(%arg0: i32) -> (i32, i32) {
    %c0_i32 = arith.constant 0 : i32
    %c0_i32_0 = arith.constant 0 : i32
    return %c0_i32, %arg0 : i32, i32
  }
}

</mosaic_0001>

<sc_bundles>
// kernel: kernel.4.cloned.1.call-start
scs
__scs_entry_jumppad:
0x0: {  	(pc) =	sbr.rel $0x88, $3  }
0x1: {  	(tag) =	ssettag $0x0;
	lr =	simm.s32 $0x1  }
0x2: {  	[smem:$0x3F9F] =	sst lr;
	_ =	strace $0xD0000000  }
0x3: {  	_ = 	snop  }
0x4: {  	_ = 	snop  }
0x5: {  	_ = 	snop  }
0x6: {  	_ = 	snop  }
0x7: {  	_ = 	snop  }
__scs_overlays_trampoline_lowered:
0x8: {  	[smem:$0x3FAE] =	sst s0  }
0x9: {  	[smem:$0x3FAF] =	sst s1  }
0xa: {  	[smem:$0x3FB0] =	sst s2  }
0xb: {  	[smem:$0x3FB1] =	sst s3  }
0xc: {  	[smem:$0x3FB2] =	sst s4  }
0xd: {  	[smem:$0x3FB3] =	sst s5  }
0xe: {  	[smem:$0x3FB4] =	sst s6  }
0xf: {  	[smem:$0x3FB5] =	sst s7  }
0x10: {  	[smem:$0x3FB6] =	sst s8  }
0x11: {  	[smem:$0x3FB7] =	sst s9;
	s0 =	simm.s32 @!p0 $0x0  }
0x12: {  	s1 =	sld [smem:$0x3F9D];
	s0 =	simm.s32 @p0 $0x1  }
0x13: {  	[smem:$0x3FB8] =	sst s0;
	s0 =	simm.s32 @!p1 $0x0  }
0x14: {  	s2 =	sld [smem:$0x3F9C];
	s0 =	simm.s32 @p1 $0x1  }
0x15: {  	[smem:$0x3FB9] =	sst s0;
	s0 =	simm.s32 @!p2 $0x0  }
0x16: {  	s3 =	sld [smem:$0x3FDB];
	s0 =	simm.s32 @p2 $0x1  }
0x17: {  	s4 =	simm.s32 $0x1BF5;
	[smem:$0x3FBB] =	sst s0  }
0x18: {  	s0 =	sld [smem:$0x3F9E];
	_ =	swait.ge [sflag:s4], $0x0  }
0x19: {  	s7 =	sld [smem:$0x3F9F]  }
0x1a: {  	s8 =	sadd.s32 $0xFFFFE003, lr  }
0x1b: {  	s9 =	sadd.s32 $0xFFFFFEF7, lr;
	s5 =	simm.s32 $0xFFFFFFFF;
	p2 =	slt.u32 s8, $0xFFFFF086  }
0x1c: {  	p1 =	slt.u32 s9, $0xF7A;
	s5 =	simm.s32 @!p2 $0x0  }
0x1d: {  	s5 =	simm.s32 @p1 $0x1;
	p0 =	seq.s32 s7, s2  }
0x1e: {  	s7 =	smul.u32 @!p0 $0xF7A, s2;
	p2 =	seq.s32 @!p0 s5, $0x0  }
0x1f: {  	s9 =	smul.u32 $0xF7A, s1;
	s8 =	simm.s32 @!p0 $0x1BF5;
	p2 =	por !p2, p0  }
0x20: {  	[sflag:s8] =	ssyncset.s32 @!p0 $0xFFFFF086;
	s6 =	sadd.s32 @!p0 s3, s7;
	s7 =	simm.s32 @!p0 $0x108  }
0x21: {  	s3 =	sadd.s32 s3, s9;
	s6 =	sadd.s32 @!p0 $0x88, s6;
	s7 =	simm.s32 @p2 $0x1082  }
0x22: {  	[simem:s7], [sflag:s8] =	dma.local @!p0 [hbm:s6], $0xF7A  }
0x23: {  	s9 =	sor.u32 $0xD0000000, s2;
	s6 =	simm.s32 $0x108;
	_ =	swait.ge @!p0 [sflag:s8], $0x0  }
0x24: {  	s3 =	sadd.s32 $0x88, s3;
	s6 =	simm.s32 @!p1 $0x1082;
	[sflag:s4] =	ssyncset.s32 $0xFFFFF086  }
0x25: {  	[simem:s6], [sflag:s4] =	dma.local [hbm:s3], $0xF7A  }
0x26: {  	[smem:$0x3F9F] =	sst s1;
	(tag) =	ssettag s2;
	_ =	strace s9  }
0x27: {  	s1 =	sld [smem:$0x3FAF]  }
0x28: {  	s2 =	sld [smem:$0x3FB0]  }
0x29: {  	s4 =	sld [smem:$0x3FB2]  }
0x2a: {  	p0 =	seq.s32 s5, $0x0;
	s5 =	sld [smem:$0x3FB3]  }
0x2b: {  	s6 =	sld [smem:$0x3FB4]  }
0x2c: {  	s7 =	sld [smem:$0x3FB5]  }
0x2d: {  	s3 =	simm.s32 $0x108;
	s8 =	sld [smem:$0x3FB6]  }
0x2e: {  	s3 =	simm.s32 @!p0 $0x1082;
	s9 =	sld [smem:$0x3FB7]  }
0x2f: {  	lr =	sadd.s32 s0, s3;
	s0 =	sld [smem:$0x3FAE]  }
0x30: {  	s3 =	sld [smem:$0x3FB1]  }
0x31: {  	[smem:$0x3FBA] =	sst s10  }
0x32: {  	s10 =	sld [smem:$0x3FB8];
	_ =	sdelay $0x3  }
0x33: {  	p0 =	seq.s32 s10, $0x1;
	s10 =	sld [smem:$0x3FBA];
	_ =	sdelay $0x3  }
0x34: {  	[smem:$0x3FBA] =	sst s10  }
0x35: {  	s10 =	sld [smem:$0x3FB9];
	_ =	sdelay $0x3  }
0x36: {  	p1 =	seq.s32 s10, $0x1;
	s10 =	sld [smem:$0x3FBA];
	_ =	sdelay $0x3  }
0x37: {  	[smem:$0x3FBA] =	sst s10  }
0x38: {  	s10 =	sld [smem:$0x3FBB]  }
0x39: {  	_ = 	snop;
	(pc) =	sbr.ind lr, $3  }
0x3a: {  	_ = 	snop  }
0x3b: {  	_ = 	snop  }
0x3c: {  	p2 =	seq.s32 s10, $0x1;
	s10 =	sld [smem:$0x3FBA]  }
0x3d: {  	_ =	shalt  }
0x3e: {  	_ =	shalt  }
0x3f: {  	_ =	shalt  }
0x40: {  	_ =	shalt  }
0x41: {  	_ =	shalt  }
0x42: {  	_ =	shalt  }
0x43: {  	_ =	shalt  }
0x44: {  	_ =	shalt  }
0x45: {  	_ =	shalt  }
0x46: {  	_ =	shalt  }
0x47: {  	_ =	shalt  }
0x48: {  	_ =	shalt  }
0x49: {  	_ =	shalt  }
0x4a: {  	_ =	shalt  }
0x4b: {  	_ =	shalt  }
0x4c: {  	_ =	shalt  }
0x4d: {  	_ =	shalt  }
0x4e: {  	_ =	shalt  }
0x4f: {  	_ =	shalt  }
0x50: {  	_ =	shalt  }
0x51: {  	_ =	shalt  }
0x52: {  	_ =	shalt  }
0x53: {  	_ =	shalt  }
0x54: {  	_ =	shalt  }
0x55: {  	_ =	shalt  }
0x56: {  	_ =	shalt  }
0x57: {  	_ =	shalt  }
0x58: {  	_ =	shalt  }
0x59: {  	_ =	shalt  }
0x5a: {  	_ =	shalt  }
0x5b: {  	_ =	shalt  }
0x5c: {  	_ =	shalt  }
0x5d: {  	_ =	shalt  }
0x5e: {  	_ =	shalt  }
0x5f: {  	_ =	shalt  }
0x60: {  	_ =	shalt  }
0x61: {  	_ =	shalt  }
0x62: {  	_ =	shalt  }
0x63: {  	_ =	shalt  }
0x64: {  	_ =	shalt  }
0x65: {  	_ =	shalt  }
0x66: {  	_ =	shalt  }
0x67: {  	_ =	shalt  }
0x68: {  	_ =	shalt  }
0x69: {  	_ =	shalt  }
0x6a: {  	_ =	shalt  }
0x6b: {  	_ =	shalt  }
0x6c: {  	_ =	shalt  }
0x6d: {  	_ =	shalt  }
0x6e: {  	_ =	shalt  }
0x6f: {  	_ =	shalt  }
0x70: {  	_ =	shalt  }
0x71: {  	_ =	shalt  }
0x72: {  	_ =	shalt  }
0x73: {  	_ =	shalt  }
0x74: {  	_ =	shalt  }
0x75: {  	_ =	shalt  }
0x76: {  	_ =	shalt  }
0x77: {  	_ =	shalt  }
0x78: {  	_ =	shalt  }
0x79: {  	_ =	shalt  }
0x7a: {  	_ =	shalt  }
0x7b: {  	_ =	shalt  }
0x7c: {  	_ =	shalt  }
0x7d: {  	_ =	shalt  }
0x7e: {  	_ =	shalt  }
0x7f: {  	_ =	shalt  }
0x80: {  	_ =	shalt  }
0x81: {  	_ =	shalt  }
0x82: {  	_ =	shalt  }
0x83: {  	_ =	shalt  }
0x84: {  	_ =	shalt  }
0x85: {  	_ =	shalt  }
0x86: {  	_ =	shalt  }
0x87: {  	_ =	shalt  }
.Lfunc_end0:
.L_simem_size_0:
called_computation_lowered:
.L_overlay_start_0:
0x88: {  	s2 =	sld [smem:$0x3FD9]  }
0x89: {  	s3 =	sld [smem:$0x3FFE];
	_ =	sdelay $0x1  }
0x8a: {  	s1 =	srdreg.scid  }
0x8b: {  	s0 =	sand.u32 $0x1, s1  }
0x8c: {  	s14 =	sshll.u32 s0, $0xA;
	s2 =	sadd.s32 s3, s2  }
0x8d: {  	s2 =	sadd.s32 s2, s14  }
0x8e: {  	[smem:$0x3FC6] =	sst s2  }
0x8f: {  	_ = 	snop  }
0x90: {  	s2 =	sld [smem:$0x3FD0];
	_ =	sdelay $0x2  }
0x91: {  	s4 =	simm.s32 $0xA;
	s5 =	simm.s32 $0x10;
	s15 =	sld [smem:$0x3FC8]  }
0x92: {  	[smem:s5], [sflag:s4] =	dma.local [hbm:s2], $0x1  }
0x93: {  	_ =	swait.eq [sflag:s4], $0x1  }
0x94: {  	[sflag:s4] =	ssyncset.done $0x0  }
0x95: {  	[sflag:s4] =	ssyncadd.s32 $0xFFFFFFFF  }
0x96: {  	s16 =	sld [smem:$0x11];
	(tm) =	ssettm $0x1  }
0x97: {  	s17 =	sld [smem:$0x3FFB];
	_ =	sdelay $0x3  }
0x98: {  	_ =	strace s17  }
0x99: {  	s4 =	sld [smem:$0x3FFC];
	_ =	sdelay $0x3  }
0x9a: {  	_ =	strace s4  }
0x9b: {  	s4 =	sld [smem:$0x3FFD];
	_ =	sdelay $0x3  }
0x9c: {  	_ =	strace s4  }
0x9d: {  	_ =	strace $0x8FFFFFFF  }
0x9e: {  	s18 =	sld [smem:$0x3FDB];
	_ =	sdelay $0x1  }
0x9f: {  	s19 =	simm.s32 $_scs_section_size  }
0xa0: {  	s6 =	simm.s32 $_size__tile_overlayer_lowered;
	s7 =	simm.s32 $_tile_overlayer_lowered  }
0xa1: {  	s22 =	simm.s32 $0x1BFF;
	s21 =	sshll.u32 s7, $0x1;
	s4 =	sadd.s32 s19, s18  }
0xa2: {  	s8 =	simm.s32 $0x0;
	s20 =	sshll.u32 s6, $0x1;
	s6 =	sadd.s32 s21, s4  }
0xa3: {  	[timem:s8], [sflag:s22] =	dma.local [hbm:s6], s20  }
0xa4: {  	_ =	swait.ge [sflag:s22], s20  }
0xa5: {  	s5 =	ssub.s32 $0x0, s20;
	[sflag:s22] =	ssyncset.done $0x0  }
0xa6: {  	[sflag:s22] =	ssyncadd.s32 s5;
	_ =	sdelay $0x1  }
0xa7: {  	s23 =	simm.s32 $0x1B8B  }
0xa8: {  	_ =	swait.ge [sflag:s23], $0x1  }
0xa9: {  	[sflag:s23] =	ssyncset.done $0x0  }
0xaa: {  	s25 =	simm.s32 $0x1B8E;
	s24 =	sld [smem:$0x3FFE];
	[sflag:s23] =	ssyncadd.s32 $0xFFFFFFFF  }
0xab: {  	s26 =	simm.s32 $execute0_lowered;
	[smem:$0x3FD2] =	sst s25  }
0xac: {  	s6 =	sshll.u32 s26, $0x1;
	_ =	strace $0x80000046;
	[dreg:$0x1] =	wrdreg $0xFFFFFFFF  }
0xad: {  	s28 =	simm.s32 $_size_execute0_lowered;
	s4 =	sadd.s32 s4, s6;
	[dreg:$0x0] =	wrdreg $0x0  }
0xae: {  	s6 =	sshll.u32 s28, $0x1;
	[dreg:$0x2] =	wrdreg s4  }
0xaf: {  	[dreg:$0x3] =	wrdreg s6  }
0xb0: {  	[dreg:$0x4] =	wrdreg $0xC0  }
0xb1: {  	_ =	task [dreg:s8], $0x5FFFF  }
0xb2: {  	[dreg:$0x1] =	wrdreg $0xFFFFFFFF  }
0xb3: {  	[dreg:$0x0] =	wrdreg $0x60  }
0xb4: {  	[dreg:$0x2] =	wrdreg s16  }
0xb5: {  	[dreg:$0x3] =	wrdreg s15  }
0xb6: {  	[dreg:$0x4] =	wrdreg s24  }
0xb7: {  	[dreg:$0x5] =	wrdreg $0x9  }
0xb8: {  	_ =	task.clear_ibuf [dreg:s8], $0x6FFFF;
	_ =	strace $0x90000046  }
0xb9: {  	s29 =	simm.s32 $0x9;
	_ =	strace $0x80000048  }
0xba: {  	_ =	swait.ge [sflag:s29], $0x1  }
0xbb: {  	[sflag:s29] =	ssyncadd.s32 $0xFFFFFFFF  }
0xbc: {  	_ =	strace $0x90000048  }
0xbd: {  	_ =	sfence  }
0xbe: {  	s30 =	sld [smem:$0x0];
	_ =	sdelay $0x2  }
0xbf: {  	s31 =	sshll.u32 s1, $0xD;
	s1 =	sshrl.u32 s1, $0x2  }
0xc0: {  	s3 =	sand.u32 $0x4000, s31;
	s1 =	sadd.s32 s1, s30  }
0xc1: {  	s0 =	sor.u32 s3, s0;
	s1 =	sshll.u32 s1, $0x11  }
0xc2: {  	s0 =	sor.u32 s1, s0  }
0xc3: {  	s0 =	sadd.s32 $0x8F2B, s0  }
0xc4: {  	[sflag:s0] =	ssyncadd.remote.s32 $0x1  }
0xc5: {  	_ =	sfence.sel $0xFFFF  }
0xc6: {  	[dreg:$0x0] =	wrdreg $0xFFFFFFFF;
	(pc) =	sbr.abs _section_cstart, $3  }
0xc7: {  	[dreg:$0x1] =	wrdreg $0xFFFFFFFF  }
0xc8: {  	_ =	task.clear_ibuf [dreg:s8], $0x2FFFF;
	_ =	strace $0x9FFFFFFF  }
0xc9: {  	(tm) =	ssettm $0x7FFFFFFF  }
tec
execute0_lowered:
.L_overlay_start_1:
0x0: {  	(tag) =	ssettag $0x1  }
0x1: {  	s4 =	rddreg [dreg:$0x0]  }
0x2: {  	s2 =	rddreg [dreg:$0x1];
	s1 =	srdreg.scid  }
0x3: {  	s0 =	stileid.u32;
	s5 =	rddreg [dreg:$0x2];
	s3 =	simm.s32 $0x0  }
0x4: {  	s9 =	simm.s32 $0xA00;
	s6 =	sand.u32 $0x1, s1;
	s7 =	sshll.u32 s0, $0x1  }
0x5: {  	s10 =	simm.s32 $0x0;
	s7 =	sor.u32 s6, s7;
	s6 =	ssub.s32 $0x2, s6  }
0x6: {  	[smem:$0x7FF] =	sst s3;
	s7 =	smul.u32 $0xC0, s7;
	s8 =	sshrl.u32 s6, $0x1  }
0x7: {  	s1 =	rddreg [dreg:$0x3];
	_ =	strace $0x80000047;
	s6 =	ssub.s32 s6, s8  }
0x8: {  	s8 =	simm.s32 $0x1;
	s5 =	sadd.s32 s7, s5;
	s4 =	sadd.s32 s4, s7  }
0x9: {  	s6 =	smax.u32 s6, $0x1;
	s7 =	simm.s32 $0x600;
	s5 =	sadd.s32 $0x600, s5  }
.LBB2_1:
0xa: {  	[tilespmem:s7], [sflag:$0x1] =	stream.linear.gather [hbm4b:s2+s3], $0x400, $0x38;
	[tilespmem:$0x1000] =	vst v63  }
0xb: {  	_ =	swait.ge [sflag:s8], $0x400  }
0xc: {  	[sflag:s8] =	ssyncset.done $0x0  }
0xd: {  	[sflag:s8] =	ssyncadd.s32 $0xFFFFFC00  }
0xe: {  	[tilespmem:s3], [sflag:$0x1] =	stream.linear.gather [hbm4b:s4+s3], $0x600, $0x38;
	[tilespmem:$0x1000] =	vst v63  }
0xf: {  	_ =	swait.ge [sflag:s8], $0x600  }
0x10: {  	s11 =	simm.s32 $0xFFFFFFF8;
	[sflag:s8] =	ssyncset.done $0x0  }
0x11: {  	s12 =	simm.s32 $0x40;
	s13 =	simm.s32 $0xA40;
	[sflag:s8] =	ssyncadd.s32 $0xFFFFFA00  }
.LBB2_2:
0x12: {  	v0 =	vld [tilespmem:s12+$0xFFFFFFC0];
	_ =	sdelay $0x7  }
0x13: {  	v0 =	vld.idx.msk [tilespmem:v0+s7+$0x0], $0xffff;
	_ =	sdelay $0x4  }
0x14: {  	[tilespmem:s13+$0xFFFFFFC0] =	vst v0  }
0x15: {  	v0 =	vld [tilespmem:s12+$0xFFFFFFD0];
	_ =	sdelay $0x7  }
0x16: {  	v0 =	vld.idx.msk [tilespmem:v0+s7+$0x0], $0xffff;
	_ =	sdelay $0x4  }
0x17: {  	[tilespmem:s13+$0xFFFFFFD0] =	vst v0  }
0x18: {  	v0 =	vld [tilespmem:s12+$0xFFFFFFE0];
	_ =	sdelay $0x7  }
0x19: {  	v0 =	vld.idx.msk [tilespmem:v0+s7+$0x0], $0xffff;
	_ =	sdelay $0x4  }
0x1a: {  	[tilespmem:s13+$0xFFFFFFE0] =	vst v0  }
0x1b: {  	v0 =	vld [tilespmem:s12+$0xFFFFFFF0];
	_ =	sdelay $0x7  }
0x1c: {  	v0 =	vld.idx.msk [tilespmem:v0+s7+$0x0], $0xffff;
	_ =	sdelay $0x4  }
0x1d: {  	[tilespmem:s13+$0xFFFFFFF0] =	vst v0  }
0x1e: {  	v0 =	vld [tilespmem:s12+$0x0];
	_ =	sdelay $0x7  }
0x1f: {  	v0 =	vld.idx.msk [tilespmem:v0+s7+$0x0], $0xffff;
	_ =	sdelay $0x4  }
0x20: {  	[tilespmem:s13+$0x0] =	vst v0  }
0x21: {  	v0 =	vld [tilespmem:s12+$0x10];
	_ =	sdelay $0x7  }
0x22: {  	v0 =	vld.idx.msk [tilespmem:v0+s7+$0x0], $0xffff;
	_ =	sdelay $0x4  }
0x23: {  	[tilespmem:s13+$0x10] =	vst v0  }
0x24: {  	v0 =	vld [tilespmem:s12+$0x20];
	_ =	sdelay $0x7  }
0x25: {  	v0 =	vld.idx.msk [tilespmem:v0+s7+$0x0], $0xffff;
	_ =	sdelay $0x4  }
0x26: {  	[tilespmem:s13+$0x20] =	vst v0  }
0x27: {  	v0 =	vld [tilespmem:s12+$0x30];
	_ =	sdelay $0x6  }
0x28: {  	s11 =	sadd.s32 $0x8, s11  }
0x29: {  	p0 =	slt.u32 s11, $0x58;
	v0 =	vld.idx.msk [tilespmem:v0+s7+$0x0], $0xffff  }
.Ltmp0:
0x2a: {  	_ = 	snop;
	(pc) =	sbr.rel @p0 .LBB2_2-.Ltmp0, $2  }
0x2b: {  	_ =	sdelay $0x2  }
0x2c: {  	s12 =	sadd.s32 $0x80, s12;
	[tilespmem:s13+$0x30] =	vst v0;
	s13 =	sadd.s32 $0x80, s13  }
0x2d: {  	s10 =	sadd.s32 $0x1, s10  }
0x2e: {  	p0 =	sne.s32 s10, s6  }
.Ltmp1:
0x2f: {  	_ = 	snop;
	(pc) =	sbr.rel @p0 .LBB2_1-.Ltmp1, $4  }
0x30: {  	[hbm4b:s5+s3] =	stream.linear.scatter [tilespmem:s9], [sflag:$0x1], $0x600, $0x38;
	[tilespmem:$0x1000] =	vst v63  }
0x31: {  	_ =	swait.ge [sflag:s8], $0x600  }
0x32: {  	[sflag:s8] =	ssyncset.done $0x0  }
0x33: {  	[sflag:s8] =	ssyncadd.s32 $0xFFFFFA00  }
0x34: {  	_ =	sfence.sel $0x180000  }
0x35: {  	[bflag:$0x0] =	sbarrier.arrive $0xFFFF  }
0x36: {  	p0 =	sne.s32 s0, $0x0;
	_ =	strace $0x90000047  }
0x37: {  	s0 =	sadd.s32 @!p0 $0x100000, s1;
	[bflag:$0x2] =	sbarrier.arrive $0xFFFF  }
0x38: {  	[sflag:s0] =	ssyncadd.tile.s32 @!p0 $0x1;
	_ =	shalt  }
.Lfunc_end2:
_tile_overlayer_lowered:
.L_overlay_start_2:
0x39: {  	(tag) =	ssettag $0x2  }
0x3a: {  	s0 =	rddreg [dreg:$0x0];
	s2 =	stileid.u32  }
0x3b: {  	s1 =	rddreg [dreg:$0x1];
	p0 =	sne.s32 s2, $0x0  }
0x3c: {  	s3 =	rddreg [dreg:$0x2];
	[bflag:$0x3] =	sbarrier.arrive $0xFFFF;
	s2 =	simm.s32 @!p0 $0x1C01  }
0x3d: {  	[timem:s3], [sflag:s2] =	dma.local @!p0 [hbm:s0], s1  }
0x3e: {  	s0 =	simm.s32 @!p0 $0x1  }
0x3f: {  	_ =	swait.ge @!p0 [sflag:s0], s1  }
0x40: {  	s1 =	ssub.s32 @!p0 $0x0, s1;
	[sflag:s0] =	ssyncset.done @!p0 $0x0  }
0x41: {  	[sflag:s0] =	ssyncadd.s32 @!p0 s1  }
0x42: {  	[bflag:$0x3] =	sbarrier.arrive $0xFFFF  }
0x43: {  	_ =	shalt  }

</sc_bundles>
